<compile_context>
chip_gen: v7x
topology: tpu7x:2x2x1
jax: 0.10.2.dev20260603
libtpu: 0.0.44.dev20260713+nightly
codegen_flags: <defaults>
</compile_context>

<pallas_src>
import functools

import jax
import jax.numpy as jnp
from jax import lax
from jax.experimental import pallas as pl
from jax.experimental.pallas import tpu as pltpu
from jax.experimental.pallas import tpu_sc as plsc

B = 1024
CTX = 50
EMBED = 64
HIDDEN = 32
VOCAB = 100000
VPAD = 102400

NC = 2
NS = 16
NW = NC * NS
BPW = B // NW
L = 16

BT = 32
NSTEP = B // BT


@functools.partial(
    pl.kernel,
    out_type=jax.ShapeDtypeStruct((B, EMBED), jnp.float32),
    mesh=plsc.VectorSubcoreMesh(core_axis_name="c", subcore_axis_name="s"),
    compiler_params=pltpu.CompilerParams(use_tc_tiling_on_sc=False),
    scratch_types=[
        pltpu.VMEM((BPW, CTX), jnp.int32),
        pltpu.VMEM((CTX, EMBED), jnp.float32),
        pltpu.VMEM((BPW, EMBED), jnp.float32),
    ],
)
def _pool_kernel(ctx_hbm, table_hbm, out_hbm, idx_v, rows_v, pool_v):
    wid = lax.axis_index("s") * NC + lax.axis_index("c")
    base = wid * BPW
    pltpu.sync_copy(ctx_hbm.at[pl.ds(base, BPW), :], idx_v)

    @pl.loop(0, BPW)
    def _(j):
        pltpu.sync_copy(table_hbm.at[idx_v.at[j]], rows_v)

        def body(i, accs):
            r = i * 5
            for k in range(5):
                accs = tuple(
                    accs[c] + rows_v[r + k, pl.ds(c * L, L)]
                    for c in range(EMBED // L)
                )
            return accs

        accs = lax.fori_loop(
            0, CTX // 5, body,
            tuple(jnp.zeros((L,), jnp.float32) for _ in range(EMBED // L)),
        )
        for c in range(EMBED // L):
            pool_v[j, pl.ds(c * L, L)] = accs[c] * (1.0 / CTX)

    pltpu.sync_copy(pool_v, out_hbm.at[pl.ds(base, BPW), :])


def _mlp_body(pooled_ref, w1t_ref, b1_ref, w2t_ref, b2_ref, out_ref, h_ref):
    @pl.when(pl.program_id(0) == 0)
    def _():
        h = jnp.dot(pooled_ref[...], w1t_ref[...],
                    preferred_element_type=jnp.float32)
        h_ref[...] = jnp.maximum(h + b1_ref[...], 0.0).astype(jnp.bfloat16)

    acc = jnp.dot(h_ref[...], w2t_ref[...], preferred_element_type=jnp.float32)
    out_ref[...] = acc + b2_ref[...]


VT = 2048
NB = (VOCAB + VT - 1) // VT


def _mlp(pooled, w1t, b1, w2t, b2):
    return pl.pallas_call(
        _mlp_body,
        grid=(NB,),
        in_specs=[
            pl.BlockSpec((B, EMBED), lambda i: (0, 0)),
            pl.BlockSpec((EMBED, HIDDEN), lambda i: (0, 0)),
            pl.BlockSpec((1, HIDDEN), lambda i: (0, 0)),
            pl.BlockSpec((HIDDEN, VT), lambda i: (0, i)),
            pl.BlockSpec((1, VT), lambda i: (0, i)),
        ],
        out_specs=pl.BlockSpec((B, VT), lambda i: (0, i)),
        out_shape=jax.ShapeDtypeStruct((B, VOCAB), jnp.float32),
        scratch_shapes=[pltpu.VMEM((B, HIDDEN), jnp.bfloat16)],
    )(pooled, w1t, b1, w2t, b2)


def kernel(context, emb_table, W1, b1, W2, b2):
    pooled = _pool_kernel(context, emb_table)
    w1t = W1.T
    w2t = W2.T.astype(jnp.bfloat16)
    return _mlp(pooled, w1t, b1.reshape(1, HIDDEN), w2t,
                b2.reshape(1, VOCAB))

# --- scband reference (transcript-rebuilt; emitter-appended) ---
"""Pipeline reference for scband-word2-vec-model-16913581211740 (READ-ONLY COPY).

The authoritative reference and input builder live on the scoring server;
editing this copy changes nothing except your own understanding.
"""

import jax, jax.numpy as jnp
import numpy as np

VOCAB = 100000
EMBED = 64
HIDDEN = EMBED // 2
BATCH = 1024
CTX = 50

def setup_inputs(seed: int = 0) -> dict:
    key = jax.random.key(seed)
    k_ctx, k_emb, k_w1, k_b1, k_w2, k_b2 = jax.random.split(key, 6)
    context = jax.random.randint(k_ctx, (BATCH, CTX), 0, VOCAB, dtype=jnp.int64 if jax.config.jax_enable_x64 else jnp.int32).astype(jnp.int32)
    emb_table = jax.random.normal(k_emb, (VOCAB, EMBED), dtype=jnp.float32)
    # nn.Linear default init: U(-1/sqrt(fan_in), 1/sqrt(fan_in))
    lim1 = 1.0 / np.sqrt(EMBED)
    W1 = jax.random.uniform(k_w1, (HIDDEN, EMBED), minval=-lim1, maxval=lim1, dtype=jnp.float32)
    b1 = jax.random.uniform(k_b1, (HIDDEN,), minval=-lim1, maxval=lim1, dtype=jnp.float32)
    lim2 = 1.0 / np.sqrt(HIDDEN)
    W2 = jax.random.uniform(k_w2, (VOCAB, HIDDEN), minval=-lim2, maxval=lim2, dtype=jnp.float32)
    b2 = jax.random.uniform(k_b2, (VOCAB,), minval=-lim2, maxval=lim2, dtype=jnp.float32)
    return {"context": context, "emb_table": emb_table, "W1": W1, "b1": b1, "W2": W2, "b2": b2}

def reference(context, emb_table, W1, b1, W2, b2):
    # nn.Embedding lookup: [B, CTX, EMBED]
    embedded = jnp.take(emb_table, context, axis=0)
    # mean over context window -> [B, EMBED]
    embedded = jnp.mean(embedded, axis=1)
    # dropout(p=0.3) is identity in eval mode
    # linear1 + relu -> [B, HIDDEN]
    h = jax.nn.relu(embedded @ W1.T + b1)
    # linear2 -> [B, VOCAB]
    output = h @ W2.T + b2
    return output

if __name__ == "__main__":
    import jax
    _d = setup_inputs()
    print(jax.jit(kernel)(*tuple(_d.values())))

</pallas_src>

<mosaic_0001>
#map = affine_map<(d0, d1) -> (0, 0)>
module attributes {stable_mosaic.version = 14 : i64} {
  func.func @_pool_kernel(%arg0: i32, %arg1: i32, %arg2: memref<1024x50xi32, #tpu.memory_space<hbm>>, %arg3: memref<100000x64xf32, #tpu.memory_space<hbm>>, %arg4: memref<1024x64xf32, #tpu.memory_space<hbm>>, %arg5: memref<32x50xi32, #tpu.memory_space<vmem>>, %arg6: memref<50x64xf32, #tpu.memory_space<vmem>>, %arg7: memref<32x64xf32, #tpu.memory_space<vmem>>) attributes {dimension_semantics = [#tpu.dimension_semantics<core_parallel>, #tpu.dimension_semantics<subcore_parallel>], iteration_bounds = array<i64: 2, 16>, scalar_prefetch = 0 : i64, scratch_operands = 3 : i64, tpu.core_type = #tpu.core_type<sc_vector_subcore>, window_params = [{transform_indices = #map}, {transform_indices = #map}, {transform_indices = #map}]} {
    %mul3A = arith.constant 2 : i32
    %mul3A_0 = arith.muli %arg1, %mul3A : i32
    %add3A = arith.addi %mul3A_0, %arg0 : i32
    %mul3A_1 = arith.constant 32 : i32
    %mul3A_2 = arith.muli %add3A, %mul3A_1 : i32
    "tpu.region"() ({
      %run_scoped3A = tpu.sem_alloc : memref<!tpu.dma_semaphore, #tpu.memory_space<semaphore_mem>>
      %dma_start3A = arith.constant 0 : i32
      %dma_start3A_7 = tpu.memref_slice %arg2[%mul3A_2, %dma_start3A] : memref<1024x50xi32, #tpu.memory_space<hbm>> -> memref<32x50xi32, #tpu.memory_space<hbm>>
      %dma_start3A_8 = arith.constant 0 : i32
      %dma_start3A_9 = tpu.memref_slice %arg2[%mul3A_2, %dma_start3A_8] : memref<1024x50xi32, #tpu.memory_space<hbm>> -> memref<32x50xi32, #tpu.memory_space<hbm>>
      tpu.enqueue_dma source(%dma_start3A_9 : memref<32x50xi32, #tpu.memory_space<hbm>>) target(%arg5 : memref<32x50xi32, #tpu.memory_space<vmem>>) target_semaphore(%run_scoped3A : memref<!tpu.dma_semaphore, #tpu.memory_space<semaphore_mem>>)
      %dma_wait3A = arith.constant 0 : i32
      %dma_wait3A_10 = tpu.memref_slice %arg2[%mul3A_2, %dma_wait3A] : memref<1024x50xi32, #tpu.memory_space<hbm>> -> memref<32x50xi32, #tpu.memory_space<hbm>>
      %dma_wait3A_11 = arith.constant 0 : i32
      %dma_wait3A_12 = tpu.memref_slice %arg2[%mul3A_2, %dma_wait3A_11] : memref<1024x50xi32, #tpu.memory_space<hbm>> -> memref<32x50xi32, #tpu.memory_space<hbm>>
      tpu.wait_dma2 semaphore(%run_scoped3A : memref<!tpu.dma_semaphore, #tpu.memory_space<semaphore_mem>>) src(%dma_wait3A_12 : memref<32x50xi32, #tpu.memory_space<hbm>>) dst(%arg5 : memref<32x50xi32, #tpu.memory_space<vmem>>)
      tpu.yield
    }) : () -> ()
    %scan3A = arith.constant 0 : i32
    %scan3A_3 = arith.constant 32 : i32
    %scan3A_4 = arith.addi %scan3A, %scan3A_3 : i32
    %scan3A_5 = arith.constant 1 : i32
    scf.for %scan3A_7 = %scan3A to %scan3A_4 step %scan3A_5  : i32 {
      %mul3A_8 = arith.constant 1 : i32
      %mul3A_9 = arith.muli %scan3A_7, %mul3A_8 : i32
      %add3A_10 = arith.constant 0 : i32
      %add3A_11 = arith.addi %add3A_10, %mul3A_9 : i32
      "tpu.region"() ({
        %run_scoped3A = tpu.sem_alloc : memref<!tpu.dma_semaphore, #tpu.memory_space<semaphore_mem>>
        %dma_start3A = arith.constant 0 : i32
        %dma_start3A_56 = tpu.memref_slice %arg5[%add3A_11, %dma_start3A] : memref<32x50xi32, #tpu.memory_space<vmem>> -> memref<1x50xi32, #tpu.memory_space<vmem>>
        %dma_start3A_57 = tpu.memref_squeeze %dma_start3A_56 : memref<1x50xi32, #tpu.memory_space<vmem>> -> memref<50xi32, #tpu.memory_space<vmem>>
        %dma_start3A_58 = arith.constant 0 : i32
        %dma_start3A_59 = arith.constant 0 : i32
        %dma_start3A_60 = tpu.memref_slice %arg3[%dma_start3A_58, %dma_start3A_59] : memref<100000x64xf32, #tpu.memory_space<hbm>> -> memref<100000x64xf32, #tpu.memory_space<hbm>>
        tpu.enqueue_indirect_dma source(%dma_start3A_60 : memref<100000x64xf32, #tpu.memory_space<hbm>>) target(%arg6 : memref<50x64xf32, #tpu.memory_space<vmem>>) offsets(%dma_start3A_57 : memref<50xi32, #tpu.memory_space<vmem>>) semaphore(%run_scoped3A : memref<!tpu.dma_semaphore, #tpu.memory_space<semaphore_mem>>)
        %dma_wait3A = arith.constant 0 : i32
        %dma_wait3A_61 = tpu.memref_slice %arg5[%add3A_11, %dma_wait3A] : memref<32x50xi32, #tpu.memory_space<vmem>> -> memref<1x50xi32, #tpu.memory_space<vmem>>
        %dma_wait3A_62 = tpu.memref_squeeze %dma_wait3A_61 : memref<1x50xi32, #tpu.memory_space<vmem>> -> memref<50xi32, #tpu.memory_space<vmem>>
        %dma_wait3A_63 = arith.constant 0 : i32
        %dma_wait3A_64 = arith.constant 0 : i32
        %dma_wait3A_65 = tpu.memref_slice %arg3[%dma_wait3A_63, %dma_wait3A_64] : memref<100000x64xf32, #tpu.memory_space<hbm>> -> memref<100000x64xf32, #tpu.memory_space<hbm>>
        tpu.wait_indirect_dma semaphore(%run_scoped3A : memref<!tpu.dma_semaphore, #tpu.memory_space<semaphore_mem>>) src(%dma_wait3A_65 : memref<100000x64xf32, #tpu.memory_space<hbm>>) dst(%arg6 : memref<50x64xf32, #tpu.memory_space<vmem>>)
        tpu.yield
      }) : () -> ()
      %broadcast_in_dim3A = arith.constant 0.000000e+00 : f32
      %broadcast_in_dim3A_12 = vector.broadcast %broadcast_in_dim3A : f32 to vector<16xf32>
      %broadcast_in_dim3A_13 = arith.constant 0.000000e+00 : f32
      %broadcast_in_dim3A_14 = vector.broadcast %broadcast_in_dim3A_13 : f32 to vector<16xf32>
      %broadcast_in_dim3A_15 = arith.constant 0.000000e+00 : f32
      %broadcast_in_dim3A_16 = vector.broadcast %broadcast_in_dim3A_15 : f32 to vector<16xf32>
      %broadcast_in_dim3A_17 = arith.constant 0.000000e+00 : f32
      %broadcast_in_dim3A_18 = vector.broadcast %broadcast_in_dim3A_17 : f32 to vector<16xf32>
      %scan3A_19 = arith.constant 0 : i32
      %scan3A_20 = arith.constant 10 : i32
      %scan3A_21 = arith.addi %scan3A_19, %scan3A_20 : i32
      %scan3A_22 = arith.constant 1 : i32
      %scan3A_23:4 = scf.for %scan3A_56 = %scan3A_19 to %scan3A_21 step %scan3A_22 iter_args(%scan3A_57 = %broadcast_in_dim3A_12, %scan3A_58 = %broadcast_in_dim3A_14, %scan3A_59 = %broadcast_in_dim3A_16, %scan3A_60 = %broadcast_in_dim3A_18) -> (vector<16xf32>, vector<16xf32>, vector<16xf32>, vector<16xf32>)  : i32 {
        %mul3A_61 = arith.constant 5 : i32
        %mul3A_62 = arith.muli %scan3A_56, %mul3A_61 : i32
        %add3A_63 = arith.constant 0 : i32
        %add3A_64 = arith.addi %mul3A_62, %add3A_63 : i32
        %get3A = arith.index_cast %add3A_64 : i32 to index
        %get3A_65 = arith.constant 0 : index
        %get3A_66 = tpu.vector_load %arg6[%get3A, %get3A_65] {strides = array<i32>} : memref<50x64xf32, #tpu.memory_space<vmem>>, vector<1x16xf32>,
        %get3A_67 = vector.shape_cast %get3A_66 : vector<1x16xf32> to vector<16xf32>
        %add3A_68 = arith.addf %scan3A_57, %get3A_67 : vector<16xf32>
        %add3A_69 = arith.constant 0 : i32
        %add3A_70 = arith.addi %mul3A_62, %add3A_69 : i32
        %get3A_71 = arith.index_cast %add3A_70 : i32 to index
        %get3A_72 = arith.constant 16 : index
        %get3A_73 = tpu.vector_load %arg6[%get3A_71, %get3A_72] {strides = array<i32>} : memref<50x64xf32, #tpu.memory_space<vmem>>, vector<1x16xf32>,
        %get3A_74 = vector.shape_cast %get3A_73 : vector<1x16xf32> to vector<16xf32>
        %add3A_75 = arith.addf %scan3A_58, %get3A_74 : vector<16xf32>
        %add3A_76 = arith.constant 0 : i32
        %add3A_77 = arith.addi %mul3A_62, %add3A_76 : i32
        %get3A_78 = arith.index_cast %add3A_77 : i32 to index
        %get3A_79 = arith.constant 32 : index
        %get3A_80 = tpu.vector_load %arg6[%get3A_78, %get3A_79] {strides = array<i32>} : memref<50x64xf32, #tpu.memory_space<vmem>>, vector<1x16xf32>,
        %get3A_81 = vector.shape_cast %get3A_80 : vector<1x16xf32> to vector<16xf32>
        %add3A_82 = arith.addf %scan3A_59, %get3A_81 : vector<16xf32>
        %add3A_83 = arith.constant 0 : i32
        %add3A_84 = arith.addi %mul3A_62, %add3A_83 : i32
        %get3A_85 = arith.index_cast %add3A_84 : i32 to index
        %get3A_86 = arith.constant 48 : index
        %get3A_87 = tpu.vector_load %arg6[%get3A_85, %get3A_86] {strides = array<i32>} : memref<50x64xf32, #tpu.memory_space<vmem>>, vector<1x16xf32>,
        %get3A_88 = vector.shape_cast %get3A_87 : vector<1x16xf32> to vector<16xf32>
        %add3A_89 = arith.addf %scan3A_60, %get3A_88 : vector<16xf32>
        %add3A_90 = arith.constant 1 : i32
        %add3A_91 = arith.addi %mul3A_62, %add3A_90 : i32
        %get3A_92 = arith.index_cast %add3A_91 : i32 to index
        %get3A_93 = arith.constant 0 : index
        %get3A_94 = tpu.vector_load %arg6[%get3A_92, %get3A_93] {strides = array<i32>} : memref<50x64xf32, #tpu.memory_space<vmem>>, vector<1x16xf32>,
        %get3A_95 = vector.shape_cast %get3A_94 : vector<1x16xf32> to vector<16xf32>
        %add3A_96 = arith.addf %add3A_68, %get3A_95 : vector<16xf32>
        %add3A_97 = arith.constant 1 : i32
        %add3A_98 = arith.addi %mul3A_62, %add3A_97 : i32
        %get3A_99 = arith.index_cast %add3A_98 : i32 to index
        %get3A_100 = arith.constant 16 : index
        %get3A_101 = tpu.vector_load %arg6[%get3A_99, %get3A_100] {strides = array<i32>} : memref<50x64xf32, #tpu.memory_space<vmem>>, vector<1x16xf32>,
        %get3A_102 = vector.shape_cast %get3A_101 : vector<1x16xf32> to vector<16xf32>
        %add3A_103 = arith.addf %add3A_75, %get3A_102 : vector<16xf32>
        %add3A_104 = arith.constant 1 : i32
        %add3A_105 = arith.addi %mul3A_62, %add3A_104 : i32
        %get3A_106 = arith.index_cast %add3A_105 : i32 to index
        %get3A_107 = arith.constant 32 : index
        %get3A_108 = tpu.vector_load %arg6[%get3A_106, %get3A_107] {strides = array<i32>} : memref<50x64xf32, #tpu.memory_space<vmem>>, vector<1x16xf32>,
        %get3A_109 = vector.shape_cast %get3A_108 : vector<1x16xf32> to vector<16xf32>
        %add3A_110 = arith.addf %add3A_82, %get3A_109 : vector<16xf32>
        %add3A_111 = arith.constant 1 : i32
        %add3A_112 = arith.addi %mul3A_62, %add3A_111 : i32
        %get3A_113 = arith.index_cast %add3A_112 : i32 to index
        %get3A_114 = arith.constant 48 : index
        %get3A_115 = tpu.vector_load %arg6[%get3A_113, %get3A_114] {strides = array<i32>} : memref<50x64xf32, #tpu.memory_space<vmem>>, vector<1x16xf32>,
        %get3A_116 = vector.shape_cast %get3A_115 : vector<1x16xf32> to vector<16xf32>
        %add3A_117 = arith.addf %add3A_89, %get3A_116 : vector<16xf32>
        %add3A_118 = arith.constant 2 : i32
        %add3A_119 = arith.addi %mul3A_62, %add3A_118 : i32
        %get3A_120 = arith.index_cast %add3A_119 : i32 to index
        %get3A_121 = arith.constant 0 : index
        %get3A_122 = tpu.vector_load %arg6[%get3A_120, %get3A_121] {strides = array<i32>} : memref<50x64xf32, #tpu.memory_space<vmem>>, vector<1x16xf32>,
        %get3A_123 = vector.shape_cast %get3A_122 : vector<1x16xf32> to vector<16xf32>
        %add3A_124 = arith.addf %add3A_96, %get3A_123 : vector<16xf32>
        %add3A_125 = arith.constant 2 : i32
        %add3A_126 = arith.addi %mul3A_62, %add3A_125 : i32
        %get3A_127 = arith.index_cast %add3A_126 : i32 to index
        %get3A_128 = arith.constant 16 : index
        %get3A_129 = tpu.vector_load %arg6[%get3A_127, %get3A_128] {strides = array<i32>} : memref<50x64xf32, #tpu.memory_space<vmem>>, vector<1x16xf32>,
        %get3A_130 = vector.shape_cast %get3A_129 : vector<1x16xf32> to vector<16xf32>
        %add3A_131 = arith.addf %add3A_103, %get3A_130 : vector<16xf32>
        %add3A_132 = arith.constant 2 : i32
        %add3A_133 = arith.addi %mul3A_62, %add3A_132 : i32
        %get3A_134 = arith.index_cast %add3A_133 : i32 to index
        %get3A_135 = arith.constant 32 : index
        %get3A_136 = tpu.vector_load %arg6[%get3A_134, %get3A_135] {strides = array<i32>} : memref<50x64xf32, #tpu.memory_space<vmem>>, vector<1x16xf32>,
        %get3A_137 = vector.shape_cast %get3A_136 : vector<1x16xf32> to vector<16xf32>
        %add3A_138 = arith.addf %add3A_110, %get3A_137 : vector<16xf32>
        %add3A_139 = arith.constant 2 : i32
        %add3A_140 = arith.addi %mul3A_62, %add3A_139 : i32
        %get3A_141 = arith.index_cast %add3A_140 : i32 to index
        %get3A_142 = arith.constant 48 : index
        %get3A_143 = tpu.vector_load %arg6[%get3A_141, %get3A_142] {strides = array<i32>} : memref<50x64xf32, #tpu.memory_space<vmem>>, vector<1x16xf32>,
        %get3A_144 = vector.shape_cast %get3A_143 : vector<1x16xf32> to vector<16xf32>
        %add3A_145 = arith.addf %add3A_117, %get3A_144 : vector<16xf32>
        %add3A_146 = arith.constant 3 : i32
        %add3A_147 = arith.addi %mul3A_62, %add3A_146 : i32
        %get3A_148 = arith.index_cast %add3A_147 : i32 to index
        %get3A_149 = arith.constant 0 : index
        %get3A_150 = tpu.vector_load %arg6[%get3A_148, %get3A_149] {strides = array<i32>} : memref<50x64xf32, #tpu.memory_space<vmem>>, vector<1x16xf32>,
        %get3A_151 = vector.shape_cast %get3A_150 : vector<1x16xf32> to vector<16xf32>
        %add3A_152 = arith.addf %add3A_124, %get3A_151 : vector<16xf32>
        %add3A_153 = arith.constant 3 : i32
        %add3A_154 = arith.addi %mul3A_62, %add3A_153 : i32
        %get3A_155 = arith.index_cast %add3A_154 : i32 to index
        %get3A_156 = arith.constant 16 : index
        %get3A_157 = tpu.vector_load %arg6[%get3A_155, %get3A_156] {strides = array<i32>} : memref<50x64xf32, #tpu.memory_space<vmem>>, vector<1x16xf32>,
        %get3A_158 = vector.shape_cast %get3A_157 : vector<1x16xf32> to vector<16xf32>
        %add3A_159 = arith.addf %add3A_131, %get3A_158 : vector<16xf32>
        %add3A_160 = arith.constant 3 : i32
        %add3A_161 = arith.addi %mul3A_62, %add3A_160 : i32
        %get3A_162 = arith.index_cast %add3A_161 : i32 to index
        %get3A_163 = arith.constant 32 : index
        %get3A_164 = tpu.vector_load %arg6[%get3A_162, %get3A_163] {strides = array<i32>} : memref<50x64xf32, #tpu.memory_space<vmem>>, vector<1x16xf32>,
        %get3A_165 = vector.shape_cast %get3A_164 : vector<1x16xf32> to vector<16xf32>
        %add3A_166 = arith.addf %add3A_138, %get3A_165 : vector<16xf32>
        %add3A_167 = arith.constant 3 : i32
        %add3A_168 = arith.addi %mul3A_62, %add3A_167 : i32
        %get3A_169 = arith.index_cast %add3A_168 : i32 to index
        %get3A_170 = arith.constant 48 : index
        %get3A_171 = tpu.vector_load %arg6[%get3A_169, %get3A_170] {strides = array<i32>} : memref<50x64xf32, #tpu.memory_space<vmem>>, vector<1x16xf32>,
        %get3A_172 = vector.shape_cast %get3A_171 : vector<1x16xf32> to vector<16xf32>
        %add3A_173 = arith.addf %add3A_145, %get3A_172 : vector<16xf32>
        %add3A_174 = arith.constant 4 : i32
        %add3A_175 = arith.addi %mul3A_62, %add3A_174 : i32
        %get3A_176 = arith.index_cast %add3A_175 : i32 to index
        %get3A_177 = arith.constant 0 : index
        %get3A_178 = tpu.vector_load %arg6[%get3A_176, %get3A_177] {strides = array<i32>} : memref<50x64xf32, #tpu.memory_space<vmem>>, vector<1x16xf32>,
        %get3A_179 = vector.shape_cast %get3A_178 : vector<1x16xf32> to vector<16xf32>
        %add3A_180 = arith.addf %add3A_152, %get3A_179 : vector<16xf32>
        %add3A_181 = arith.constant 4 : i32
        %add3A_182 = arith.addi %mul3A_62, %add3A_181 : i32
        %get3A_183 = arith.index_cast %add3A_182 : i32 to index
        %get3A_184 = arith.constant 16 : index
        %get3A_185 = tpu.vector_load %arg6[%get3A_183, %get3A_184] {strides = array<i32>} : memref<50x64xf32, #tpu.memory_space<vmem>>, vector<1x16xf32>,
        %get3A_186 = vector.shape_cast %get3A_185 : vector<1x16xf32> to vector<16xf32>
        %add3A_187 = arith.addf %add3A_159, %get3A_186 : vector<16xf32>
        %add3A_188 = arith.constant 4 : i32
        %add3A_189 = arith.addi %mul3A_62, %add3A_188 : i32
        %get3A_190 = arith.index_cast %add3A_189 : i32 to index
        %get3A_191 = arith.constant 32 : index
        %get3A_192 = tpu.vector_load %arg6[%get3A_190, %get3A_191] {strides = array<i32>} : memref<50x64xf32, #tpu.memory_space<vmem>>, vector<1x16xf32>,
        %get3A_193 = vector.shape_cast %get3A_192 : vector<1x16xf32> to vector<16xf32>
        %add3A_194 = arith.addf %add3A_166, %get3A_193 : vector<16xf32>
        %add3A_195 = arith.constant 4 : i32
        %add3A_196 = arith.addi %mul3A_62, %add3A_195 : i32
        %get3A_197 = arith.index_cast %add3A_196 : i32 to index
        %get3A_198 = arith.constant 48 : index
        %get3A_199 = tpu.vector_load %arg6[%get3A_197, %get3A_198] {strides = array<i32>} : memref<50x64xf32, #tpu.memory_space<vmem>>, vector<1x16xf32>,
        %get3A_200 = vector.shape_cast %get3A_199 : vector<1x16xf32> to vector<16xf32>
        %add3A_201 = arith.addf %add3A_173, %get3A_200 : vector<16xf32>
        scf.yield %add3A_180, %add3A_187, %add3A_194, %add3A_201 : vector<16xf32>, vector<16xf32>, vector<16xf32>, vector<16xf32>
      }
      %scan3A_24 = arith.constant 10 : i32
      %mul3A_25 = arith.constant 2.000000e-02 : f32
      %mul3A_26 = vector.broadcast %mul3A_25 : f32 to vector<16xf32>
      %mul3A_27 = arith.mulf %scan3A_23#0, %mul3A_26 : vector<16xf32>
      %swap3A = arith.index_cast %add3A_11 : i32 to index
      %swap3A_28 = arith.constant 0 : index
      %swap3A_29 = tpu.vector_load %arg7[%swap3A, %swap3A_28] {strides = array<i32>} : memref<32x64xf32, #tpu.memory_space<vmem>>, vector<1x16xf32>,
      %swap3A_30 = vector.shape_cast %swap3A_29 : vector<1x16xf32> to vector<16xf32>
      %swap3A_31 = vector.shape_cast %mul3A_27 : vector<16xf32> to vector<1x16xf32>
      tpu.vector_store %arg7[%swap3A, %swap3A_28], %swap3A_31 {strides = array<i32>} : memref<32x64xf32, #tpu.memory_space<vmem>>, vector<1x16xf32>,
      %mul3A_32 = arith.constant 2.000000e-02 : f32
      %mul3A_33 = vector.broadcast %mul3A_32 : f32 to vector<16xf32>
      %mul3A_34 = arith.mulf %scan3A_23#1, %mul3A_33 : vector<16xf32>
      %swap3A_35 = arith.index_cast %add3A_11 : i32 to index
      %swap3A_36 = arith.constant 16 : index
      %swap3A_37 = tpu.vector_load %arg7[%swap3A_35, %swap3A_36] {strides = array<i32>} : memref<32x64xf32, #tpu.memory_space<vmem>>, vector<1x16xf32>,
      %swap3A_38 = vector.shape_cast %swap3A_37 : vector<1x16xf32> to vector<16xf32>
      %swap3A_39 = vector.shape_cast %mul3A_34 : vector<16xf32> to vector<1x16xf32>
      tpu.vector_store %arg7[%swap3A_35, %swap3A_36], %swap3A_39 {strides = array<i32>} : memref<32x64xf32, #tpu.memory_space<vmem>>, vector<1x16xf32>,
      %mul3A_40 = arith.constant 2.000000e-02 : f32
      %mul3A_41 = vector.broadcast %mul3A_40 : f32 to vector<16xf32>
      %mul3A_42 = arith.mulf %scan3A_23#2, %mul3A_41 : vector<16xf32>
      %swap3A_43 = arith.index_cast %add3A_11 : i32 to index
      %swap3A_44 = arith.constant 32 : index
      %swap3A_45 = tpu.vector_load %arg7[%swap3A_43, %swap3A_44] {strides = array<i32>} : memref<32x64xf32, #tpu.memory_space<vmem>>, vector<1x16xf32>,
      %swap3A_46 = vector.shape_cast %swap3A_45 : vector<1x16xf32> to vector<16xf32>
      %swap3A_47 = vector.shape_cast %mul3A_42 : vector<16xf32> to vector<1x16xf32>
      tpu.vector_store %arg7[%swap3A_43, %swap3A_44], %swap3A_47 {strides = array<i32>} : memref<32x64xf32, #tpu.memory_space<vmem>>, vector<1x16xf32>,
      %mul3A_48 = arith.constant 2.000000e-02 : f32
      %mul3A_49 = vector.broadcast %mul3A_48 : f32 to vector<16xf32>
      %mul3A_50 = arith.mulf %scan3A_23#3, %mul3A_49 : vector<16xf32>
      %swap3A_51 = arith.index_cast %add3A_11 : i32 to index
      %swap3A_52 = arith.constant 48 : index
      %swap3A_53 = tpu.vector_load %arg7[%swap3A_51, %swap3A_52] {strides = array<i32>} : memref<32x64xf32, #tpu.memory_space<vmem>>, vector<1x16xf32>,
      %swap3A_54 = vector.shape_cast %swap3A_53 : vector<1x16xf32> to vector<16xf32>
      %swap3A_55 = vector.shape_cast %mul3A_50 : vector<16xf32> to vector<1x16xf32>
      tpu.vector_store %arg7[%swap3A_51, %swap3A_52], %swap3A_55 {strides = array<i32>} : memref<32x64xf32, #tpu.memory_space<vmem>>, vector<1x16xf32>,
    }
    %scan3A_6 = arith.constant 32 : i32
    "tpu.region"() ({
      %run_scoped3A = tpu.sem_alloc : memref<!tpu.dma_semaphore, #tpu.memory_space<semaphore_mem>>
      %dma_start3A = arith.constant 0 : i32
      %dma_start3A_7 = tpu.memref_slice %arg4[%mul3A_2, %dma_start3A] : memref<1024x64xf32, #tpu.memory_space<hbm>> -> memref<32x64xf32, #tpu.memory_space<hbm>>
      %dma_start3A_8 = arith.constant 0 : i32
      %dma_start3A_9 = tpu.memref_slice %arg4[%mul3A_2, %dma_start3A_8] : memref<1024x64xf32, #tpu.memory_space<hbm>> -> memref<32x64xf32, #tpu.memory_space<hbm>>
      tpu.enqueue_dma source(%arg7 : memref<32x64xf32, #tpu.memory_space<vmem>>) target(%dma_start3A_9 : memref<32x64xf32, #tpu.memory_space<hbm>>) target_semaphore(%run_scoped3A : memref<!tpu.dma_semaphore, #tpu.memory_space<semaphore_mem>>)
      %dma_wait3A = arith.constant 0 : i32
      %dma_wait3A_10 = tpu.memref_slice %arg4[%mul3A_2, %dma_wait3A] : memref<1024x64xf32, #tpu.memory_space<hbm>> -> memref<32x64xf32, #tpu.memory_space<hbm>>
      %dma_wait3A_11 = arith.constant 0 : i32
      %dma_wait3A_12 = tpu.memref_slice %arg4[%mul3A_2, %dma_wait3A_11] : memref<1024x64xf32, #tpu.memory_space<hbm>> -> memref<32x64xf32, #tpu.memory_space<hbm>>
      tpu.wait_dma2 semaphore(%run_scoped3A : memref<!tpu.dma_semaphore, #tpu.memory_space<semaphore_mem>>) src(%arg7 : memref<32x64xf32, #tpu.memory_space<vmem>>) dst(%dma_wait3A_12 : memref<32x64xf32, #tpu.memory_space<hbm>>)
      tpu.yield
    }) : () -> ()
    return
  }
}

module attributes {stable_mosaic.version = 14 : i64} {
  func.func @_mlp_body(%arg0: i32, %arg1: memref<1024x64xf32, #tpu.memory_space<vmem>>, %arg2: memref<64x32xf32, #tpu.memory_space<vmem>>, %arg3: memref<1x32xf32, #tpu.memory_space<vmem>>, %arg4: memref<32x2048xbf16, #tpu.memory_space<vmem>>, %arg5: memref<1x2048xf32, #tpu.memory_space<vmem>>, %arg6: memref<1024x2048xf32, #tpu.memory_space<vmem>>, %arg7: memref<1024x32xbf16, #tpu.memory_space<vmem>>) attributes {dimension_semantics = [#tpu.dimension_semantics<arbitrary>], iteration_bounds = array<i64: 49>, scalar_prefetch = 0 : i64, scratch_operands = 1 : i64, tpu.core_type = #tpu.core_type<tc>, window_params = [{pipeline_mode = #tpu.pipeline_mode<synchronous>, transform_indices = @transform_0, window_bounds = array<i64: 1024, 64>}, {pipeline_mode = #tpu.pipeline_mode<synchronous>, transform_indices = @transform_1, window_bounds = array<i64: 64, 32>}, {pipeline_mode = #tpu.pipeline_mode<synchronous>, transform_indices = @transform_2, window_bounds = array<i64: 1, 32>}, {transform_indices = @transform_3, window_bounds = array<i64: 32, 2048>}, {transform_indices = @transform_4, window_bounds = array<i64: 1, 2048>}, {transform_indices = @transform_5, window_bounds = array<i64: 1024, 2048>}]} {
    %eq3A = arith.constant 0 : i32
    %eq3A_0 = arith.cmpi eq, %arg0, %eq3A : i32
    %convert_element_type3A = arith.extui %eq3A_0 : i1 to i32
    %cond3A = arith.constant 0 : i32
    %cond3A_1 = arith.cmpi ne, %convert_element_type3A, %cond3A : i32
    scf.if %cond3A_1 {
      %get3A_14 = arith.constant 0 : index
      %get3A_15 = arith.constant 0 : index
      %get3A_16 = vector.load %arg1[%get3A_14, %get3A_15] : memref<1024x64xf32, #tpu.memory_space<vmem>>, vector<1024x64xf32>
      %get3A_17 = arith.constant 0 : index
      %get3A_18 = arith.constant 0 : index
      %get3A_19 = vector.load %arg2[%get3A_17, %get3A_18] : memref<64x32xf32, #tpu.memory_space<vmem>>, vector<64x32xf32>
      %dot_general3A_20 = arith.constant dense<0.000000e+00> : vector<1024x32xf32>
      %dot_general3A_21 = tpu.matmul %get3A_16, %get3A_19, %dot_general3A_20 {dimension_numbers = #tpu.dot_dimension_numbers<[1], [0], [0], [1], [0, 0, 1, 1], [], []>, transpose_lhs_hint = false} : vector<1024x64xf32>, vector<64x32xf32>, vector<1024x32xf32> -> vector<1024x32xf32>
      %get3A_22 = arith.constant 0 : index
      %get3A_23 = arith.constant 0 : index
      %get3A_24 = vector.load %arg3[%get3A_22, %get3A_23] : memref<1x32xf32, #tpu.memory_space<vmem>>, vector<1x32xf32>
      %add3A_25 = vector.broadcast %get3A_24 : vector<1x32xf32> to vector<1024x32xf32>
      %add3A_26 = arith.addf %dot_general3A_21, %add3A_25 : vector<1024x32xf32>
      %max3A = arith.constant 0.000000e+00 : f32
      %max3A_27 = vector.broadcast %max3A : f32 to vector<1024x32xf32>
      %max3A_28 = arith.maximumf %add3A_26, %max3A_27 : vector<1024x32xf32>
      %convert_element_type3A_29 = arith.truncf %max3A_28 : vector<1024x32xf32> to vector<1024x32xbf16>
      %swap3A_30 = arith.constant 0 : index
      %swap3A_31 = arith.constant 0 : index
      %swap3A_32 = vector.load %arg7[%swap3A_30, %swap3A_31] : memref<1024x32xbf16, #tpu.memory_space<vmem>>, vector<1024x32xbf16>
      tpu.vector_store %arg7[%swap3A_30, %swap3A_31], %convert_element_type3A_29 {strides = array<i32>} : memref<1024x32xbf16, #tpu.memory_space<vmem>>, vector<1024x32xbf16>,
    } else {
    }
    %get3A = arith.constant 0 : index
    %get3A_2 = arith.constant 0 : index
    %get3A_3 = vector.load %arg7[%get3A, %get3A_2] : memref<1024x32xbf16, #tpu.memory_space<vmem>>, vector<1024x32xbf16>
    %get3A_4 = arith.constant 0 : index
    %get3A_5 = arith.constant 0 : index
    %get3A_6 = vector.load %arg4[%get3A_4, %get3A_5] : memref<32x2048xbf16, #tpu.memory_space<vmem>>, vector<32x2048xbf16>
    %dot_general3A = arith.constant dense<0.000000e+00> : vector<1024x2048xf32>
    %dot_general3A_7 = tpu.matmul %get3A_3, %get3A_6, %dot_general3A {dimension_numbers = #tpu.dot_dimension_numbers<[1], [0], [0], [1], [0, 0, 1, 1], [], []>, transpose_lhs_hint = false} : vector<1024x32xbf16>, vector<32x2048xbf16>, vector<1024x2048xf32> -> vector<1024x2048xf32>
    %get3A_8 = arith.constant 0 : index
    %get3A_9 = arith.constant 0 : index
    %get3A_10 = vector.load %arg5[%get3A_8, %get3A_9] : memref<1x2048xf32, #tpu.memory_space<vmem>>, vector<1x2048xf32>
    %add3A = vector.broadcast %get3A_10 : vector<1x2048xf32> to vector<1024x2048xf32>
    %add3A_11 = arith.addf %dot_general3A_7, %add3A : vector<1024x2048xf32>
    %swap3A = arith.constant 0 : index
    %swap3A_12 = arith.constant 0 : index
    %swap3A_13 = vector.load %arg6[%swap3A, %swap3A_12] : memref<1024x2048xf32, #tpu.memory_space<vmem>>, vector<1024x2048xf32>
    tpu.vector_store %arg6[%swap3A, %swap3A_12], %add3A_11 {strides = array<i32>} : memref<1024x2048xf32, #tpu.memory_space<vmem>>, vector<1024x2048xf32>,
    return
  }
  func.func @transform_0(%arg0: i32) -> (i32, i32) {
    %c0_i32 = arith.constant 0 : i32
    %c0_i32_0 = arith.constant 0 : i32
    %c0_i32_1 = arith.constant 0 : i32
    return %c0_i32, %c0_i32_0 : i32, i32
  }
  func.func @transform_1(%arg0: i32) -> (i32, i32) {
    %c0_i32 = arith.constant 0 : i32
    %c0_i32_0 = arith.constant 0 : i32
    %c0_i32_1 = arith.constant 0 : i32
    return %c0_i32, %c0_i32_0 : i32, i32
  }
  func.func @transform_2(%arg0: i32) -> (i32, i32) {
    %c0_i32 = arith.constant 0 : i32
    %c0_i32_0 = arith.constant 0 : i32
    %c0_i32_1 = arith.constant 0 : i32
    return %c0_i32, %c0_i32_0 : i32, i32
  }
  func.func @transform_3(%arg0: i32) -> (i32, i32) {
    %c0_i32 = arith.constant 0 : i32
    %c0_i32_0 = arith.constant 0 : i32
    return %c0_i32, %arg0 : i32, i32
  }
  func.func @transform_4(%arg0: i32) -> (i32, i32) {
    %c0_i32 = arith.constant 0 : i32
    %c0_i32_0 = arith.constant 0 : i32
    return %c0_i32, %arg0 : i32, i32
  }
  func.func @transform_5(%arg0: i32) -> (i32, i32) {
    %c0_i32 = arith.constant 0 : i32
    %c0_i32_0 = arith.constant 0 : i32
    return %c0_i32, %arg0 : i32, i32
  }
}

</mosaic_0001>

<sc_bundles>
// kernel: kernel.4.cloned.1.call-start
scs
__scs_entry_jumppad:
0x0: {  	(pc) =	sbr.rel $0x88, $3  }
0x1: {  	(tag) =	ssettag $0x0;
	lr =	simm.s32 $0x1  }
0x2: {  	[smem:$0x3F9B] =	sst lr;
	_ =	strace $0xD0000000  }
0x3: {  	_ = 	snop  }
0x4: {  	_ = 	snop  }
0x5: {  	_ = 	snop  }
0x6: {  	_ = 	snop  }
0x7: {  	_ = 	snop  }
__scs_overlays_trampoline_lowered:
0x8: {  	[smem:$0x3FAA] =	sst s0  }
0x9: {  	[smem:$0x3FAB] =	sst s1  }
0xa: {  	[smem:$0x3FAC] =	sst s2  }
0xb: {  	[smem:$0x3FAD] =	sst s3  }
0xc: {  	[smem:$0x3FAE] =	sst s4  }
0xd: {  	[smem:$0x3FAF] =	sst s5  }
0xe: {  	[smem:$0x3FB0] =	sst s6  }
0xf: {  	[smem:$0x3FB1] =	sst s7  }
0x10: {  	[smem:$0x3FB2] =	sst s8  }
0x11: {  	[smem:$0x3FB3] =	sst s9;
	s0 =	simm.s32 @!p0 $0x0  }
0x12: {  	s1 =	sld [smem:$0x3F99];
	s0 =	simm.s32 @p0 $0x1  }
0x13: {  	[smem:$0x3FB4] =	sst s0;
	s0 =	simm.s32 @!p1 $0x0  }
0x14: {  	s2 =	sld [smem:$0x3F98];
	s0 =	simm.s32 @p1 $0x1  }
0x15: {  	[smem:$0x3FB5] =	sst s0;
	s0 =	simm.s32 @!p2 $0x0  }
0x16: {  	s3 =	sld [smem:$0x3FDB];
	s0 =	simm.s32 @p2 $0x1  }
0x17: {  	s4 =	simm.s32 $0x1BF5;
	[smem:$0x3FB7] =	sst s0  }
0x18: {  	s0 =	sld [smem:$0x3F9A];
	_ =	swait.ge [sflag:s4], $0x0  }
0x19: {  	s7 =	sld [smem:$0x3F9B]  }
0x1a: {  	s8 =	sadd.s32 $0xFFFFE003, lr  }
0x1b: {  	s9 =	sadd.s32 $0xFFFFFEF7, lr;
	s5 =	simm.s32 $0xFFFFFFFF;
	p2 =	slt.u32 s8, $0xFFFFF086  }
0x1c: {  	p1 =	slt.u32 s9, $0xF7A;
	s5 =	simm.s32 @!p2 $0x0  }
0x1d: {  	s5 =	simm.s32 @p1 $0x1;
	p0 =	seq.s32 s7, s2  }
0x1e: {  	s7 =	smul.u32 @!p0 $0xF7A, s2;
	p2 =	seq.s32 @!p0 s5, $0x0  }
0x1f: {  	s9 =	smul.u32 $0xF7A, s1;
	s8 =	simm.s32 @!p0 $0x1BF5;
	p2 =	por !p2, p0  }
0x20: {  	[sflag:s8] =	ssyncset.s32 @!p0 $0xFFFFF086;
	s6 =	sadd.s32 @!p0 s3, s7;
	s7 =	simm.s32 @!p0 $0x108  }
0x21: {  	s3 =	sadd.s32 s3, s9;
	s6 =	sadd.s32 @!p0 $0x88, s6;
	s7 =	simm.s32 @p2 $0x1082  }
0x22: {  	[simem:s7], [sflag:s8] =	dma.local @!p0 [hbm:s6], $0xF7A  }
0x23: {  	s9 =	sor.u32 $0xD0000000, s2;
	s6 =	simm.s32 $0x108;
	_ =	swait.ge @!p0 [sflag:s8], $0x0  }
0x24: {  	s3 =	sadd.s32 $0x88, s3;
	s6 =	simm.s32 @!p1 $0x1082;
	[sflag:s4] =	ssyncset.s32 $0xFFFFF086  }
0x25: {  	[simem:s6], [sflag:s4] =	dma.local [hbm:s3], $0xF7A  }
0x26: {  	[smem:$0x3F9B] =	sst s1;
	(tag) =	ssettag s2;
	_ =	strace s9  }
0x27: {  	s1 =	sld [smem:$0x3FAB]  }
0x28: {  	s2 =	sld [smem:$0x3FAC]  }
0x29: {  	s4 =	sld [smem:$0x3FAE]  }
0x2a: {  	p0 =	seq.s32 s5, $0x0;
	s5 =	sld [smem:$0x3FAF]  }
0x2b: {  	s6 =	sld [smem:$0x3FB0]  }
0x2c: {  	s7 =	sld [smem:$0x3FB1]  }
0x2d: {  	s3 =	simm.s32 $0x108;
	s8 =	sld [smem:$0x3FB2]  }
0x2e: {  	s3 =	simm.s32 @!p0 $0x1082;
	s9 =	sld [smem:$0x3FB3]  }
0x2f: {  	lr =	sadd.s32 s0, s3;
	s0 =	sld [smem:$0x3FAA]  }
0x30: {  	s3 =	sld [smem:$0x3FAD]  }
0x31: {  	[smem:$0x3FB6] =	sst s10  }
0x32: {  	s10 =	sld [smem:$0x3FB4];
	_ =	sdelay $0x3  }
0x33: {  	p0 =	seq.s32 s10, $0x1;
	s10 =	sld [smem:$0x3FB6];
	_ =	sdelay $0x3  }
0x34: {  	[smem:$0x3FB6] =	sst s10  }
0x35: {  	s10 =	sld [smem:$0x3FB5];
	_ =	sdelay $0x3  }
0x36: {  	p1 =	seq.s32 s10, $0x1;
	s10 =	sld [smem:$0x3FB6];
	_ =	sdelay $0x3  }
0x37: {  	[smem:$0x3FB6] =	sst s10  }
0x38: {  	s10 =	sld [smem:$0x3FB7]  }
0x39: {  	_ = 	snop;
	(pc) =	sbr.ind lr, $3  }
0x3a: {  	_ = 	snop  }
0x3b: {  	_ = 	snop  }
0x3c: {  	p2 =	seq.s32 s10, $0x1;
	s10 =	sld [smem:$0x3FB6]  }
0x3d: {  	_ =	shalt  }
0x3e: {  	_ =	shalt  }
0x3f: {  	_ =	shalt  }
0x40: {  	_ =	shalt  }
0x41: {  	_ =	shalt  }
0x42: {  	_ =	shalt  }
0x43: {  	_ =	shalt  }
0x44: {  	_ =	shalt  }
0x45: {  	_ =	shalt  }
0x46: {  	_ =	shalt  }
0x47: {  	_ =	shalt  }
0x48: {  	_ =	shalt  }
0x49: {  	_ =	shalt  }
0x4a: {  	_ =	shalt  }
0x4b: {  	_ =	shalt  }
0x4c: {  	_ =	shalt  }
0x4d: {  	_ =	shalt  }
0x4e: {  	_ =	shalt  }
0x4f: {  	_ =	shalt  }
0x50: {  	_ =	shalt  }
0x51: {  	_ =	shalt  }
0x52: {  	_ =	shalt  }
0x53: {  	_ =	shalt  }
0x54: {  	_ =	shalt  }
0x55: {  	_ =	shalt  }
0x56: {  	_ =	shalt  }
0x57: {  	_ =	shalt  }
0x58: {  	_ =	shalt  }
0x59: {  	_ =	shalt  }
0x5a: {  	_ =	shalt  }
0x5b: {  	_ =	shalt  }
0x5c: {  	_ =	shalt  }
0x5d: {  	_ =	shalt  }
0x5e: {  	_ =	shalt  }
0x5f: {  	_ =	shalt  }
0x60: {  	_ =	shalt  }
0x61: {  	_ =	shalt  }
0x62: {  	_ =	shalt  }
0x63: {  	_ =	shalt  }
0x64: {  	_ =	shalt  }
0x65: {  	_ =	shalt  }
0x66: {  	_ =	shalt  }
0x67: {  	_ =	shalt  }
0x68: {  	_ =	shalt  }
0x69: {  	_ =	shalt  }
0x6a: {  	_ =	shalt  }
0x6b: {  	_ =	shalt  }
0x6c: {  	_ =	shalt  }
0x6d: {  	_ =	shalt  }
0x6e: {  	_ =	shalt  }
0x6f: {  	_ =	shalt  }
0x70: {  	_ =	shalt  }
0x71: {  	_ =	shalt  }
0x72: {  	_ =	shalt  }
0x73: {  	_ =	shalt  }
0x74: {  	_ =	shalt  }
0x75: {  	_ =	shalt  }
0x76: {  	_ =	shalt  }
0x77: {  	_ =	shalt  }
0x78: {  	_ =	shalt  }
0x79: {  	_ =	shalt  }
0x7a: {  	_ =	shalt  }
0x7b: {  	_ =	shalt  }
0x7c: {  	_ =	shalt  }
0x7d: {  	_ =	shalt  }
0x7e: {  	_ =	shalt  }
0x7f: {  	_ =	shalt  }
0x80: {  	_ =	shalt  }
0x81: {  	_ =	shalt  }
0x82: {  	_ =	shalt  }
0x83: {  	_ =	shalt  }
0x84: {  	_ =	shalt  }
0x85: {  	_ =	shalt  }
0x86: {  	_ =	shalt  }
0x87: {  	_ =	shalt  }
.Lfunc_end0:
.L_simem_size_0:
called_computation_lowered:
.L_overlay_start_0:
0x88: {  	s2 =	sld [smem:$0x3FD9]  }
0x89: {  	s3 =	sld [smem:$0x3FFE];
	_ =	sdelay $0x1  }
0x8a: {  	s1 =	srdreg.scid  }
0x8b: {  	s0 =	sand.u32 $0x1, s1  }
0x8c: {  	s17 =	sshll.u32 s0, $0xA;
	s2 =	sadd.s32 s3, s2  }
0x8d: {  	s2 =	sadd.s32 s2, s17  }
0x8e: {  	[smem:$0x3FC2] =	sst s2  }
0x8f: {  	_ = 	snop  }
0x90: {  	s2 =	sld [smem:$0x3FD0];
	(tm) =	ssettm $0x1  }
0x91: {  	s18 =	sld [smem:$0x3FFB];
	_ =	sdelay $0x3  }
0x92: {  	_ =	strace s18  }
0x93: {  	s3 =	sld [smem:$0x3FFC];
	_ =	sdelay $0x3  }
0x94: {  	_ =	strace s3  }
0x95: {  	s3 =	sld [smem:$0x3FFD];
	_ =	sdelay $0x3  }
0x96: {  	_ =	strace s3  }
0x97: {  	_ =	strace $0x8FFFFFFF  }
0x98: {  	s19 =	sld [smem:$0x3FDB];
	_ =	sdelay $0x1  }
0x99: {  	s4 =	simm.s32 $_scs_section_size  }
0x9a: {  	s5 =	simm.s32 $_size__tile_overlayer_lowered;
	s6 =	simm.s32 $_tile_overlayer_lowered  }
0x9b: {  	s22 =	simm.s32 $0x1BFF;
	s21 =	sshll.u32 s6, $0x1;
	s3 =	sadd.s32 s4, s19  }
0x9c: {  	s7 =	simm.s32 $0x0;
	s20 =	sshll.u32 s5, $0x1;
	s5 =	sadd.s32 s21, s3  }
0x9d: {  	[timem:s7], [sflag:s22] =	dma.local [hbm:s5], s20  }
0x9e: {  	_ =	swait.ge [sflag:s22], s20  }
0x9f: {  	s4 =	ssub.s32 $0x0, s20;
	[sflag:s22] =	ssyncset.done $0x0  }
0xa0: {  	[sflag:s22] =	ssyncadd.s32 s4;
	_ =	sdelay $0x1  }
0xa1: {  	s23 =	simm.s32 $0x1B8B  }
0xa2: {  	_ =	swait.ge [sflag:s23], $0x1  }
0xa3: {  	[sflag:s23] =	ssyncset.done $0x0  }
0xa4: {  	s25 =	simm.s32 $0x1B8E;
	s24 =	sld [smem:$0x3FFE];
	[sflag:s23] =	ssyncadd.s32 $0xFFFFFFFF  }
0xa5: {  	s26 =	simm.s32 $execute0_lowered;
	[smem:$0x3FD2] =	sst s25  }
0xa6: {  	s5 =	sshll.u32 s26, $0x1;
	_ =	strace $0x80000046;
	[dreg:$0x1] =	wrdreg $0xFFFFFFFF  }
0xa7: {  	s28 =	simm.s32 $_size_execute0_lowered;
	s3 =	sadd.s32 s3, s5;
	[dreg:$0x0] =	wrdreg $0x0  }
0xa8: {  	s5 =	sshll.u32 s28, $0x1;
	[dreg:$0x2] =	wrdreg s3  }
0xa9: {  	[dreg:$0x3] =	wrdreg s5  }
0xaa: {  	[dreg:$0x4] =	wrdreg $0xC0  }
0xab: {  	_ =	task [dreg:s7], $0x5FFFF  }
0xac: {  	[dreg:$0x1] =	wrdreg $0xFFFFFFFF  }
0xad: {  	[dreg:$0x0] =	wrdreg $0x60  }
0xae: {  	[dreg:$0x2] =	wrdreg s24  }
0xaf: {  	[dreg:$0x3] =	wrdreg s2  }
0xb0: {  	[dreg:$0x4] =	wrdreg $0x9  }
0xb1: {  	_ =	task.clear_ibuf [dreg:s7], $0x5FFFF;
	_ =	strace $0x90000046  }
0xb2: {  	s29 =	simm.s32 $0x9;
	_ =	strace $0x80000048  }
0xb3: {  	_ =	swait.ge [sflag:s29], $0x1  }
0xb4: {  	[sflag:s29] =	ssyncadd.s32 $0xFFFFFFFF  }
0xb5: {  	_ =	strace $0x90000048  }
0xb6: {  	_ =	sfence  }
0xb7: {  	s30 =	sld [smem:$0x0];
	_ =	sdelay $0x2  }
0xb8: {  	s31 =	sshll.u32 s1, $0xD;
	s1 =	sshrl.u32 s1, $0x2  }
0xb9: {  	s3 =	sand.u32 $0x4000, s31;
	s1 =	sadd.s32 s1, s30  }
0xba: {  	s0 =	sor.u32 s3, s0;
	s1 =	sshll.u32 s1, $0x11  }
0xbb: {  	s0 =	sor.u32 s1, s0  }
0xbc: {  	s0 =	sadd.s32 $0x8F2B, s0  }
0xbd: {  	[sflag:s0] =	ssyncadd.remote.s32 $0x1  }
0xbe: {  	_ =	sfence.sel $0xFFFF  }
0xbf: {  	[dreg:$0x0] =	wrdreg $0xFFFFFFFF;
	(pc) =	sbr.abs _section_cstart, $3  }
0xc0: {  	[dreg:$0x1] =	wrdreg $0xFFFFFFFF  }
0xc1: {  	_ =	task.clear_ibuf [dreg:s7], $0x2FFFF;
	_ =	strace $0x9FFFFFFF  }
0xc2: {  	(tm) =	ssettm $0x7FFFFFFF  }
0xc3: {  	_ =	shalt  }
tec
execute0_lowered:
.L_overlay_start_1:
0x0: {  	(tag) =	ssettag $0x1  }
0x1: {  	s1 =	srdreg.scid  }
0x2: {  	s0 =	stileid.u32;
	s4 =	rddreg [dreg:$0x0]  }
0x3: {  	s5 =	rddreg [dreg:$0x1];
	s9 =	simm.s32 $0x700;
	s10 =	simm.s32 $0x1380  }
0x4: {  	s11 =	simm.s32 $0x0;
	s3 =	sand.u32 $0x1, s1;
	s30 =	sshll.u32 s0, $0x6  }
0x5: {  	s1 =	rddreg [dreg:$0x2];
	s2 =	sshll.u32 s3, $0x5;
	s8 =	ssub.s32 $0x2, s3  }
0x6: {  	s3 =	sadd.s32 $0x3600, s4;
	s6 =	sor.u32 s2, s30;
	s2 =	simm.s32 $0x0  }
0x7: {  	s31 =	sshrl.u32 s8, $0x1;
	s7 =	smul.u32 $0x7, s6;
	[smem:$0x7FF] =	sst s2  }
0x8: {  	s6 =	sshll.u32 s6, $0x3;
	s8 =	ssub.s32 s8, s31;
	_ =	strace $0x80000047  }
0x9: {  	s5 =	sadd.s32 s5, s6;
	s6 =	smax.u32 s8, $0x1;
	s7 =	sadd.s32 s7, s4  }
0xa: {  	s8 =	simm.s32 $0x32;
	s4 =	sadd.s32 $0x1A00, s7;
	s7 =	simm.s32 $0x1  }
.LBB2_1:
0xb: {  	[tilespmem:s2], [sflag:$0x1] =	stream.linear.gather [hbm4b:s4+s2], $0x700, $0x38;
	[tilespmem:$0x1B80] =	vst v63  }
0xc: {  	_ =	swait.ge [sflag:s7], $0x700  }
0xd: {  	[sflag:s7] =	ssyncset.done $0x0  }
0xe: {  	s12 =	simm.s32 $0x0;
	[sflag:s7] =	ssyncadd.s32 $0xFFFFF900  }
.LBB2_2:
0xf: {  	s13 =	smul.u32 $0xE0, s12;
	_ =	sdelay $0x1  }
0x10: {  	s13 =	sshra.s32 s13, $0x2  }
0x11: {  	[tilespmem:s9], [sflag:$0x1] =	stream.indirect.gather [hbm4b:s3+s8], $0x40, s13, s8, $0xb8;
	[tilespmem:$0x1B80] =	vst v63  }
0x12: {  	_ =	swait.ge [sflag:s7], $0xC80  }
0x13: {  	[sflag:s7] =	ssyncset.done $0x0  }
0x14: {  	s13 =	simm.s32 $0x0;
	[sflag:s7] =	ssyncadd.s32 $0xFFFFF380  }
0x15: {  	v0 =	vld [tilespmem:s13+$0x800]  }
0x16: {  	v1 =	vld [tilespmem:s13+$0x810]  }
0x17: {  	v2 =	vld [tilespmem:s13+$0x7C0]  }
0x18: {  	v3 =	vld [tilespmem:s13+$0x7D0]  }
0x19: {  	v4 =	vld [tilespmem:s13+$0x780]  }
0x1a: {  	v5 =	vld [tilespmem:s13+$0x790]  }
0x1b: {  	v6 =	vld [tilespmem:s13+$0x740]  }
0x1c: {  	v7 =	vld [tilespmem:s13+$0x750]  }
0x1d: {  	v13 =	vld [tilespmem:s13+$0x700]  }
0x1e: {  	v8 =	vimm.f32 $0.0e+00;
	v14 =	vld [tilespmem:s13+$0x710]  }
0x1f: {  	s14 =	simm.s32 $0x500;
	v11 =	vimm.f32 $0.0e+00;
	v10 =	vimm.f32 $0.0e+00;
	v9 =	vimm.f32 $0.0e+00;
	v12 =	vld [tilespmem:s13+$0x720]  }
.LBB2_3:
0x20: {  	p0 =	sne.s32 s14, $0x2D00;
	v15 =	vld [tilespmem:s13+$0x730]  }
0x21: {  	v16 =	vld [tilespmem:s13+$0x760]  }
0x22: {  	v17 =	vld [tilespmem:s13+$0x770]  }
0x23: {  	v18 =	vld [tilespmem:s13+$0x7A0]  }
0x24: {  	v8 =	vadd.f32 v13, v8;
	v11 =	vadd.f32 v14, v11;
	v13 =	vld [tilespmem:s13+$0x7B0]  }
0x25: {  	v10 =	vadd.f32 v12, v10;
	v9 =	vadd.f32 v15, v9;
	v12 =	vld [tilespmem:s13+$0x7E0]  }
0x26: {  	v6 =	vadd.f32 v6, v8;
	v7 =	vadd.f32 v7, v11;
	v8 =	vld [tilespmem:s13+$0x7F0]  }
0x27: {  	v10 =	vadd.f32 v16, v10;
	v9 =	vadd.f32 v17, v9;
	v14 =	vld [tilespmem:s13+$0x820]  }
0x28: {  	v4 =	vadd.f32 v4, v6;
	v5 =	vadd.f32 v5, v7;
	v6 =	vld [tilespmem:s13+$0x830];
	s13 =	sshra.s32 s14, $0x2  }
0x29: {  	v10 =	vadd.f32 v18, v10;
	v7 =	vld [tilespmem:s13+$0x800];
	v9 =	vadd.f32 v13, v9  }
0x2a: {  	v4 =	vadd.f32 v2, v4;
	v5 =	vadd.f32 v3, v5;
	v13 =	vld [tilespmem:s13+$0x810]  }
0x2b: {  	v10 =	vadd.f32 v12, v10;
	v2 =	vld [tilespmem:s13+$0x7C0];
	v9 =	vadd.f32 v8, v9  }
0x2c: {  	v8 =	vadd.f32 v0, v4;
	v11 =	vadd.f32 v1, v5;
	v3 =	vld [tilespmem:s13+$0x7D0]  }
0x2d: {  	v10 =	vadd.f32 v14, v10;
	v4 =	vld [tilespmem:s13+$0x780];
	v9 =	vadd.f32 v6, v9  }
0x2e: {  	v5 =	vld [tilespmem:s13+$0x790];
	v0 =	vmov v7  }
.Ltmp0:
0x2f: {  	v6 =	vld [tilespmem:s13+$0x740];
	v1 =	vmov v13;
	(pc) =	sbr.rel @p0 .LBB2_3-.Ltmp0, $4  }
0x30: {  	v7 =	vld [tilespmem:s13+$0x750]  }
0x31: {  	v13 =	vld [tilespmem:s13+$0x700]  }
0x32: {  	v14 =	vld [tilespmem:s13+$0x710]  }
0x33: {  	s14 =	sadd.s32 $0x500, s14;
	v12 =	vld [tilespmem:s13+$0x720]  }
0x34: {  	v15 =	vld [tilespmem:s13+$0x730]  }
0x35: {  	v16 =	vld [tilespmem:s13+$0x760]  }
0x36: {  	v17 =	vld [tilespmem:s13+$0x770];
	v8 =	vadd.f32 v13, v8  }
0x37: {  	v50 =	vld [tilespmem:s13+$0x7A0];
	v11 =	vadd.f32 v14, v11  }
0x38: {  	v51 =	vld [tilespmem:s13+$0x7B0];
	v10 =	vadd.f32 v12, v10;
	v6 =	vadd.f32 v6, v8  }
0x39: {  	v53 =	vld [tilespmem:s13+$0x7E0];
	v52 =	vadd.f32 v15, v9;
	v7 =	vadd.f32 v7, v11  }
0x3a: {  	v54 =	vld [tilespmem:s13+$0x7F0];
	v10 =	vadd.f32 v16, v10;
	v4 =	vadd.f32 v4, v6  }
0x3b: {  	v56 =	vld [tilespmem:s13+$0x820];
	v55 =	vadd.f32 v17, v52;
	v5 =	vadd.f32 v5, v7  }
0x3c: {  	v57 =	vld [tilespmem:s13+$0x830];
	v10 =	vadd.f32 v50, v10;
	v2 =	vadd.f32 v2, v4  }
0x3d: {  	v58 =	vadd.f32 v51, v55;
	v3 =	vadd.f32 v3, v5  }
0x3e: {  	v59 =	vadd.f32 v53, v10;
	v0 =	vadd.f32 v0, v2  }
0x3f: {  	s31 =	sshll.u32 s12, $0x6;
	s12 =	sadd.s32 $0x1, s12;
	v60 =	vadd.f32 v54, v58;
	v1 =	vadd.f32 v1, v3  }
0x40: {  	p0 =	sne.s32 s12, $0x20;
	v61 =	vadd.f32 v56, v59;
	v0 =	vmul.f32 $1.999999960e-02, v0  }
.Ltmp1:
0x41: {  	s13 =	sand.u32 $0x3FFFFFC0, s31;
	v2 =	vadd.f32 v57, v60;
	v1 =	vmul.f32 $1.999999960e-02, v1;
	(pc) =	sbr.rel @p0 .LBB2_2-.Ltmp1, $4  }
0x42: {  	[tilespmem:s13+$0x1380] =	vst v0;
	v62 =	vmul.f32 $1.999999960e-02, v61  }
0x43: {  	[tilespmem:s13+$0x1390] =	vst v1;
	v63 =	vmul.f32 $1.999999960e-02, v2  }
0x44: {  	[tilespmem:s13+$0x13A0] =	vst v62  }
0x45: {  	[tilespmem:s13+$0x13B0] =	vst v63  }
0x46: {  	s11 =	sadd.s32 $0x1, s11  }
0x47: {  	p0 =	sne.s32 s11, s6  }
.Ltmp2:
0x48: {  	_ = 	snop;
	(pc) =	sbr.rel @p0 .LBB2_1-.Ltmp2, $4  }
0x49: {  	[hbm4b:s5+s2] =	stream.linear.scatter [tilespmem:s10], [sflag:$0x1], $0x800, $0x38;
	[tilespmem:$0x1B80] =	vst v63  }
0x4a: {  	_ =	swait.ge [sflag:s7], $0x800  }
0x4b: {  	[sflag:s7] =	ssyncset.done $0x0  }
0x4c: {  	[sflag:s7] =	ssyncadd.s32 $0xFFFFF800  }
0x4d: {  	_ =	sfence.sel $0x180000  }
0x4e: {  	[bflag:$0x0] =	sbarrier.arrive $0xFFFF  }
0x4f: {  	p0 =	sne.s32 s0, $0x0;
	_ =	strace $0x90000047  }
0x50: {  	s0 =	sadd.s32 @!p0 $0x100000, s1;
	[bflag:$0x2] =	sbarrier.arrive $0xFFFF  }
0x51: {  	[sflag:s0] =	ssyncadd.tile.s32 @!p0 $0x1;
	_ =	shalt  }
.Lfunc_end2:
_tile_overlayer_lowered:
.L_overlay_start_2:
0x52: {  	(tag) =	ssettag $0x2  }
0x53: {  	s0 =	rddreg [dreg:$0x0];
	s2 =	stileid.u32  }
0x54: {  	s1 =	rddreg [dreg:$0x1];
	p0 =	sne.s32 s2, $0x0  }
0x55: {  	s3 =	rddreg [dreg:$0x2];
	[bflag:$0x3] =	sbarrier.arrive $0xFFFF;
	s2 =	simm.s32 @!p0 $0x1C01  }
0x56: {  	[timem:s3], [sflag:s2] =	dma.local @!p0 [hbm:s0], s1  }
0x57: {  	s0 =	simm.s32 @!p0 $0x1  }
0x58: {  	_ =	swait.ge @!p0 [sflag:s0], s1  }
0x59: {  	s1 =	ssub.s32 @!p0 $0x0, s1;
	[sflag:s0] =	ssyncset.done @!p0 $0x0  }
0x5a: {  	[sflag:s0] =	ssyncadd.s32 @!p0 s1  }
0x5b: {  	[bflag:$0x3] =	sbarrier.arrive $0xFFFF  }
0x5c: {  	_ =	shalt  }

</sc_bundles>
